<compile_context>
chip_gen: v7x
topology: tpu7x:2x2x1
jax: 0.10.2.dev20260603
libtpu: 0.0.44.dev20260713+nightly
codegen_flags: <defaults>
</compile_context>

<pallas_src>
import functools

import jax
import jax.numpy as jnp
from jax import lax
from jax.experimental import pallas as pl
from jax.experimental.pallas import tpu as pltpu
from jax.experimental.pallas import tpu_sc as plsc

_TOPK = 64
_R = 1024
_N = 8192
_NW = 32
_ROWS_PW = _R // _NW
_NV = _N // 16
_CAP = _NV


def _f32_key(x):
    u = lax.bitcast_convert_type(x, jnp.uint32)
    return jnp.where((u >> 31) == 1, ~u, u | jnp.uint32(0x80000000))


def _key_to_f32(k):
    u = jnp.where(k >= jnp.uint32(0x80000000), k ^ jnp.uint32(0x80000000), ~k)
    return lax.bitcast_convert_type(u, jnp.float32)


def _row_topk(rowbuf, zbuf, idxbuf, keybuf):
    lane = lax.broadcasted_iota(jnp.int32, (16,), 0)
    lanebase = lane * _CAP
    one = jnp.ones((16,), jnp.int32)
    zero = jnp.zeros((16,), jnp.int32)

    ninf = jnp.full((16,), -jnp.inf, jnp.float32)

    @plsc.parallel_loop(0, _NV // 4, unroll=2, carry=(ninf, ninf, ninf, ninf))
    def pass_a(i, accs):
        a0, a1, a2, a3 = accs
        j = i * 4
        a0 = jnp.maximum(a0, rowbuf[pl.ds(j * 16, 16)])
        a1 = jnp.maximum(a1, rowbuf[pl.ds((j + 1) * 16, 16)])
        a2 = jnp.maximum(a2, rowbuf[pl.ds((j + 2) * 16, 16)])
        a3 = jnp.maximum(a3, rowbuf[pl.ds((j + 3) * 16, 16)])
        return a0, a1, a2, a3

    a0, a1, a2, a3 = pass_a
    vmax = jnp.maximum(jnp.maximum(a0, a1), jnp.maximum(a2, a3))
    vmin = jnp.minimum(jnp.minimum(a0, a1), jnp.minimum(a2, a3))
    lb = jnp.min(vmin)
    lo0 = jnp.min(_f32_key(vmin))
    hi0 = jnp.max(_f32_key(vmax)) + jnp.uint32(1)

    def pass_b(i, percnt):
        for t in range(4):
            j = i * 4 + t
            x = rowbuf[pl.ds(j * 16, 16)]
            m = x >= lb
            plsc.store_scatter(idxbuf, [lanebase + percnt], lane + j * 16, mask=m)
            percnt = percnt + jnp.where(m, one, zero)
        return percnt

    percnt = lax.fori_loop(0, _NV // 4, pass_b, zero)
    maxc = jnp.max(percnt)

    def gather_keys(s, _):
        idxv = plsc.load_gather(idxbuf, [lanebase + s])
        xg = plsc.load_gather(rowbuf, [idxv])
        kv = jnp.where(percnt > s, _f32_key(xg), jnp.uint32(0))
        keybuf[pl.ds(s * 16, 16)] = kv
        return 0

    lax.fori_loop(0, maxc, gather_keys, 0)

    def bisect_cond(carry):
        lo, hi = carry
        return hi - lo > jnp.uint32(1)

    def bisect_body(carry):
        lo, hi = carry
        mid = lo + ((hi - lo) >> 1)

        def count_vec(s, acc):
            kv = keybuf[pl.ds(s * 16, 16)]
            return acc + (kv >= mid).astype(jnp.int32)

        acc = lax.fori_loop(0, maxc, count_vec, zero)
        c = jnp.sum(acc)
        return jnp.where(c >= _TOPK, mid, lo), jnp.where(c >= _TOPK, hi, mid)

    thresh, _ = lax.while_loop(bisect_cond, bisect_body, (lo0, hi0))

    def scatter_out(s, _):
        kv = keybuf[pl.ds(s * 16, 16)]
        keep = kv >= thresh
        idxv = plsc.load_gather(idxbuf, [lanebase + s])
        plsc.store_scatter(zbuf, [idxv], _key_to_f32(kv), mask=keep)
        return 0

    lax.fori_loop(0, maxc, scatter_out, 0)
    return maxc, thresh


def _restore_zeros(zbuf, idxbuf, keybuf, maxc, thresh):
    lane = lax.broadcasted_iota(jnp.int32, (16,), 0)
    lanebase = lane * _CAP
    zeros_f = jnp.zeros((16,), jnp.float32)

    def unscatter(s, _):
        kv = keybuf[pl.ds(s * 16, 16)]
        keep = kv >= thresh
        idxv = plsc.load_gather(idxbuf, [lanebase + s])
        plsc.store_scatter(zbuf, [idxv], zeros_f, mask=keep)
        return 0

    lax.fori_loop(0, maxc, unscatter, 0)


def _sc_topk_body(attn_hbm, out_hbm, rowbuf, zbuf, idxbuf, keybuf):
    wid = lax.axis_index("s") * 2 + lax.axis_index("c")
    base = wid * _ROWS_PW
    zeros_f = jnp.zeros((16,), jnp.float32)

    def zero_bufs(j, _):
        zbuf[pl.ds(j * 16, 16)] = zeros_f
        idxbuf[pl.ds(j * 16, 16)] = jnp.zeros((16,), jnp.int32)
        return 0

    lax.fori_loop(0, _NV, zero_bufs, 0)

    def per_row(r, _):
        row = base + r
        pltpu.sync_copy(attn_hbm.at[row], rowbuf)
        maxc, thresh = _row_topk(rowbuf, zbuf, idxbuf, keybuf)
        pltpu.sync_copy(zbuf, out_hbm.at[row])
        _restore_zeros(zbuf, idxbuf, keybuf, maxc, thresh)
        return 0

    lax.fori_loop(0, _ROWS_PW, per_row, 0)


@functools.partial(jax.jit, static_argnums=())
def _sc_topk(flat):
    mesh = plsc.VectorSubcoreMesh(core_axis_name="c", subcore_axis_name="s")
    k = functools.partial(
        pl.kernel,
        mesh=mesh,
        out_type=jax.ShapeDtypeStruct((_R, _N), jnp.float32),
        scratch_types=[
            pltpu.VMEM((_N,), jnp.float32),
            pltpu.VMEM((_N,), jnp.float32),
            pltpu.VMEM((16 * _CAP,), jnp.int32),
            pltpu.VMEM((_N,), jnp.uint32),
        ],
        compiler_params=pltpu.CompilerParams(needs_layout_passes=False),
    )(_sc_topk_body)
    return k(flat)


def kernel(attn):
    mb, num_q, num_k = attn.shape
    flat = attn.reshape(mb * num_q, num_k)
    out = _sc_topk(flat)
    return out.reshape(mb, num_q, num_k)

# --- scband reference (transcript-rebuilt; emitter-appended) ---
"""Pipeline reference for scband-topk-sparsification-87952340287563 (READ-ONLY COPY).

The authoritative reference and input builder live on the scoring server;
editing this copy changes nothing except your own understanding.
"""

import jax, jax.numpy as jnp
import numpy as np

TOPK = 64


def setup_inputs(seed: int = 0) -> dict:
    key = jax.random.key(seed)
    attn = jax.random.normal(key, (32, 32, 8192), dtype=jnp.float32)
    return {"attn": attn}


def reference(attn):
    # TopkSparsification.forward: reshape to (mb*num_q, num_k), keep only the
    # top-k entries per row (TopkSparseAttention), zero the rest, reshape back.
    mb, num_q, num_k = attn.shape
    flat = attn.reshape(mb * num_q, num_k)
    vals, idx = jax.lax.top_k(flat, TOPK)  # [R, k], [R, k]
    rows = jnp.arange(flat.shape[0])[:, None]  # [R, 1]
    sparse = jnp.zeros_like(flat).at[rows, idx].set(vals)
    return sparse.reshape(mb, num_q, num_k)

if __name__ == "__main__":
    import jax
    _d = setup_inputs()
    print(jax.jit(kernel)(*tuple(_d.values())))

</pallas_src>

<mosaic_0001>
#map = affine_map<(d0, d1) -> (0, 0)>
module attributes {stable_mosaic.version = 14 : i64} {
  func.func @_sc_topk_body(%arg0: i32, %arg1: i32, %arg2: memref<1024x8192xf32, #tpu.memory_space<hbm>>, %arg3: memref<1024x8192xf32, #tpu.memory_space<hbm>>, %arg4: memref<8192xf32, #tpu.memory_space<vmem>>, %arg5: memref<8192xf32, #tpu.memory_space<vmem>>, %arg6: memref<8192xi32, #tpu.memory_space<vmem>>, %arg7: memref<8192xi32, #tpu.memory_space<vmem>>) attributes {dimension_semantics = [#tpu.dimension_semantics<core_parallel>, #tpu.dimension_semantics<subcore_parallel>], iteration_bounds = array<i64: 2, 16>, scalar_prefetch = 0 : i64, scratch_operands = 4 : i64, tpu.core_type = #tpu.core_type<sc_vector_subcore>, window_params = [{transform_indices = #map}, {transform_indices = #map}]} {
    %mul3A = arith.constant 2 : i32
    %mul3A_0 = arith.muli %arg1, %mul3A : i32
    %add3A = arith.addi %mul3A_0, %arg0 : i32
    %mul3A_1 = arith.constant 32 : i32
    %mul3A_2 = arith.muli %add3A, %mul3A_1 : i32
    %broadcast_in_dim3A = arith.constant 0.000000e+00 : f32
    %broadcast_in_dim3A_3 = vector.broadcast %broadcast_in_dim3A : f32 to vector<16xf32>
    %scan3A = arith.constant 0 : i32
    %scan3A_4 = arith.constant 0 : i32
    %scan3A_5 = arith.constant 512 : i32
    %scan3A_6 = arith.addi %scan3A_4, %scan3A_5 : i32
    %scan3A_7 = arith.constant 1 : i32
    %scan3A_8 = scf.for %scan3A_17 = %scan3A_4 to %scan3A_6 step %scan3A_7 iter_args(%scan3A_18 = %scan3A) -> (i32)  : i32 {
      %mul3A_19 = arith.constant 16 : i32
      %mul3A_20 = arith.muli %scan3A_17, %mul3A_19 : i32
      %swap3A = arith.index_cast %mul3A_20 : i32 to index
      %swap3A_21 = tpu.vector_load %arg5[%swap3A] {strides = array<i32>} : memref<8192xf32, #tpu.memory_space<vmem>>, vector<16xf32>,
      tpu.vector_store %arg5[%swap3A], %broadcast_in_dim3A_3 {strides = array<i32>} : memref<8192xf32, #tpu.memory_space<vmem>>, vector<16xf32>,
      %broadcast_in_dim3A_22 = arith.constant 0 : i32
      %broadcast_in_dim3A_23 = vector.broadcast %broadcast_in_dim3A_22 : i32 to vector<16xi32>
      %mul3A_24 = arith.constant 16 : i32
      %mul3A_25 = arith.muli %scan3A_17, %mul3A_24 : i32
      %swap3A_26 = arith.index_cast %mul3A_25 : i32 to index
      %swap3A_27 = tpu.vector_load %arg6[%swap3A_26] {strides = array<i32>} : memref<8192xi32, #tpu.memory_space<vmem>>, vector<16xi32>,
      tpu.vector_store %arg6[%swap3A_26], %broadcast_in_dim3A_23 {strides = array<i32>} : memref<8192xi32, #tpu.memory_space<vmem>>, vector<16xi32>,
      %scan3A_28 = arith.constant 0 : i32
      scf.yield %scan3A_28 : i32
    }
    %scan3A_9 = arith.constant 512 : i32
    %scan3A_10 = arith.constant 0 : i32
    %scan3A_11 = arith.constant 0 : i32
    %scan3A_12 = arith.constant 32 : i32
    %scan3A_13 = arith.addi %scan3A_11, %scan3A_12 : i32
    %scan3A_14 = arith.constant 1 : i32
    %scan3A_15 = scf.for %scan3A_17 = %scan3A_11 to %scan3A_13 step %scan3A_14 iter_args(%scan3A_18 = %scan3A_10) -> (i32)  : i32 {
      %add3A_19 = arith.addi %mul3A_2, %scan3A_17 : i32
      "tpu.region"() ({
        %run_scoped3A = tpu.sem_alloc : memref<!tpu.dma_semaphore, #tpu.memory_space<semaphore_mem>>
        %dma_start3A = arith.constant 0 : i32
        %dma_start3A_125 = tpu.memref_slice %arg2[%add3A_19, %dma_start3A] : memref<1024x8192xf32, #tpu.memory_space<hbm>> -> memref<1x8192xf32, #tpu.memory_space<hbm>>
        %dma_start3A_126 = tpu.memref_squeeze %dma_start3A_125 : memref<1x8192xf32, #tpu.memory_space<hbm>> -> memref<8192xf32, #tpu.memory_space<hbm>>
        %dma_start3A_127 = arith.constant 0 : i32
        %dma_start3A_128 = tpu.memref_slice %arg2[%add3A_19, %dma_start3A_127] : memref<1024x8192xf32, #tpu.memory_space<hbm>> -> memref<1x8192xf32, #tpu.memory_space<hbm>>
        %dma_start3A_129 = tpu.memref_squeeze %dma_start3A_128 : memref<1x8192xf32, #tpu.memory_space<hbm>> -> memref<8192xf32, #tpu.memory_space<hbm>>
        tpu.enqueue_dma source(%dma_start3A_129 : memref<8192xf32, #tpu.memory_space<hbm>>) target(%arg4 : memref<8192xf32, #tpu.memory_space<vmem>>) target_semaphore(%run_scoped3A : memref<!tpu.dma_semaphore, #tpu.memory_space<semaphore_mem>>)
        %dma_wait3A = arith.constant 0 : i32
        %dma_wait3A_130 = tpu.memref_slice %arg2[%add3A_19, %dma_wait3A] : memref<1024x8192xf32, #tpu.memory_space<hbm>> -> memref<1x8192xf32, #tpu.memory_space<hbm>>
        %dma_wait3A_131 = tpu.memref_squeeze %dma_wait3A_130 : memref<1x8192xf32, #tpu.memory_space<hbm>> -> memref<8192xf32, #tpu.memory_space<hbm>>
        %dma_wait3A_132 = arith.constant 0 : i32
        %dma_wait3A_133 = tpu.memref_slice %arg2[%add3A_19, %dma_wait3A_132] : memref<1024x8192xf32, #tpu.memory_space<hbm>> -> memref<1x8192xf32, #tpu.memory_space<hbm>>
        %dma_wait3A_134 = tpu.memref_squeeze %dma_wait3A_133 : memref<1x8192xf32, #tpu.memory_space<hbm>> -> memref<8192xf32, #tpu.memory_space<hbm>>
        tpu.wait_dma2 semaphore(%run_scoped3A : memref<!tpu.dma_semaphore, #tpu.memory_space<semaphore_mem>>) src(%dma_wait3A_134 : memref<8192xf32, #tpu.memory_space<hbm>>) dst(%arg4 : memref<8192xf32, #tpu.memory_space<vmem>>)
        tpu.yield
      }) : () -> ()
      %iota3A = tpu.iota {dimensions = array<i32: 0>} : vector<16xi32>
      %mul3A_20 = arith.constant 512 : i32
      %mul3A_21 = vector.broadcast %mul3A_20 : i32 to vector<16xi32>
      %mul3A_22 = arith.muli %iota3A, %mul3A_21 : vector<16xi32>
      %broadcast_in_dim3A_23 = arith.constant 1 : i32
      %broadcast_in_dim3A_24 = vector.broadcast %broadcast_in_dim3A_23 : i32 to vector<16xi32>
      %broadcast_in_dim3A_25 = arith.constant 0 : i32
      %broadcast_in_dim3A_26 = vector.broadcast %broadcast_in_dim3A_25 : i32 to vector<16xi32>
      %broadcast_in_dim3A_27 = arith.constant 0xFF800000 : f32
      %broadcast_in_dim3A_28 = vector.broadcast %broadcast_in_dim3A_27 : f32 to vector<16xf32>
      %parallel_loop3A = arith.constant 0 : i32
      %parallel_loop3A_29 = arith.constant 128 : i32
      %parallel_loop3A_30 = arith.constant 1 : i32
      %parallel_loop3A_31:4 = scf.for %parallel_loop3A_125 = %parallel_loop3A to %parallel_loop3A_29 step %parallel_loop3A_30 iter_args(%parallel_loop3A_126 = %broadcast_in_dim3A_28, %parallel_loop3A_127 = %broadcast_in_dim3A_28, %parallel_loop3A_128 = %broadcast_in_dim3A_28, %parallel_loop3A_129 = %broadcast_in_dim3A_28) -> (vector<16xf32>, vector<16xf32>, vector<16xf32>, vector<16xf32>)  : i32 {
        %parallel_loop3A_130 = arith.constant 4 : i32
        %parallel_loop3A_131 = arith.muli %parallel_loop3A_125, %parallel_loop3A_130 : i32
        %parallel_loop3A_132 = arith.constant 16 : i32
        %parallel_loop3A_133 = arith.muli %parallel_loop3A_131, %parallel_loop3A_132 : i32
        %parallel_loop3A_134 = arith.index_cast %parallel_loop3A_133 : i32 to index
        %parallel_loop3A_135 = tpu.vector_load %arg4[%parallel_loop3A_134] {strides = array<i32>} : memref<8192xf32, #tpu.memory_space<vmem>>, vector<16xf32>,
        %parallel_loop3A_136 = arith.maximumf %parallel_loop3A_126, %parallel_loop3A_135 : vector<16xf32>
        %parallel_loop3A_137 = arith.constant 1 : i32
        %parallel_loop3A_138 = arith.addi %parallel_loop3A_131, %parallel_loop3A_137 : i32
        %parallel_loop3A_139 = arith.constant 16 : i32
        %parallel_loop3A_140 = arith.muli %parallel_loop3A_138, %parallel_loop3A_139 : i32
        %parallel_loop3A_141 = arith.index_cast %parallel_loop3A_140 : i32 to index
        %parallel_loop3A_142 = tpu.vector_load %arg4[%parallel_loop3A_141] {strides = array<i32>} : memref<8192xf32, #tpu.memory_space<vmem>>, vector<16xf32>,
        %parallel_loop3A_143 = arith.maximumf %parallel_loop3A_127, %parallel_loop3A_142 : vector<16xf32>
        %parallel_loop3A_144 = arith.constant 2 : i32
        %parallel_loop3A_145 = arith.addi %parallel_loop3A_131, %parallel_loop3A_144 : i32
        %parallel_loop3A_146 = arith.constant 16 : i32
        %parallel_loop3A_147 = arith.muli %parallel_loop3A_145, %parallel_loop3A_146 : i32
        %parallel_loop3A_148 = arith.index_cast %parallel_loop3A_147 : i32 to index
        %parallel_loop3A_149 = tpu.vector_load %arg4[%parallel_loop3A_148] {strides = array<i32>} : memref<8192xf32, #tpu.memory_space<vmem>>, vector<16xf32>,
        %parallel_loop3A_150 = arith.maximumf %parallel_loop3A_128, %parallel_loop3A_149 : vector<16xf32>
        %parallel_loop3A_151 = arith.constant 3 : i32
        %parallel_loop3A_152 = arith.addi %parallel_loop3A_131, %parallel_loop3A_151 : i32
        %parallel_loop3A_153 = arith.constant 16 : i32
        %parallel_loop3A_154 = arith.muli %parallel_loop3A_152, %parallel_loop3A_153 : i32
        %parallel_loop3A_155 = arith.index_cast %parallel_loop3A_154 : i32 to index
        %parallel_loop3A_156 = tpu.vector_load %arg4[%parallel_loop3A_155] {strides = array<i32>} : memref<8192xf32, #tpu.memory_space<vmem>>, vector<16xf32>,
        %parallel_loop3A_157 = arith.maximumf %parallel_loop3A_129, %parallel_loop3A_156 : vector<16xf32>
        scf.yield %parallel_loop3A_136, %parallel_loop3A_143, %parallel_loop3A_150, %parallel_loop3A_157 : vector<16xf32>, vector<16xf32>, vector<16xf32>, vector<16xf32>
      } {sc.loop_unroll_factor = 2 : i64, sc.parallel_access}
      %max3A = arith.maximumf %parallel_loop3A_31#0, %parallel_loop3A_31#1 : vector<16xf32>
      %max3A_32 = arith.maximumf %parallel_loop3A_31#2, %parallel_loop3A_31#3 : vector<16xf32>
      %max3A_33 = arith.maximumf %max3A, %max3A_32 : vector<16xf32>
      %min3A = arith.minimumf %parallel_loop3A_31#0, %parallel_loop3A_31#1 : vector<16xf32>
      %min3A_34 = arith.minimumf %parallel_loop3A_31#2, %parallel_loop3A_31#3 : vector<16xf32>
      %min3A_35 = arith.minimumf %min3A, %min3A_34 : vector<16xf32>
      %reduce_min3A = arith.constant true
      %reduce_min3A_36 = vector.broadcast %reduce_min3A : i1 to vector<16xi1>
      %reduce_min3A_37 = tpu.scan <min>, %min3A_35 masked %reduce_min3A_36 : vector<16xf32>, vector<16xi1> -> vector<16xf32>
      %reduce_min3A_38 = vector.extract %reduce_min3A_37[15] : f32 from vector<16xf32>
      %bitcast_convert_type3A = tpu.bitcast %min3A_35 : vector<16xf32> -> vector<16xi32>
      %shift_right_logical3A = arith.constant 31 : i32
      %shift_right_logical3A_39 = vector.broadcast %shift_right_logical3A : i32 to vector<16xi32>
      %shift_right_logical3A_40 = arith.shrui %bitcast_convert_type3A, %shift_right_logical3A_39 : vector<16xi32>
      %eq3A = arith.constant 1 : i32
      %eq3A_41 = vector.broadcast %eq3A : i32 to vector<16xi32>
      %eq3A_42 = arith.cmpi eq, %shift_right_logical3A_40, %eq3A_41 : vector<16xi32>
      %not3A = arith.constant dense<-1> : vector<16xi32>
      %not3A_43 = arith.xori %bitcast_convert_type3A, %not3A : vector<16xi32>
      %or3A = arith.constant -2147483648 : i32
      %or3A_44 = vector.broadcast %or3A : i32 to vector<16xi32>
      %or3A_45 = arith.ori %bitcast_convert_type3A, %or3A_44 : vector<16xi32>
      %select_n3A = arith.select %eq3A_42, %not3A_43, %or3A_45 : vector<16xi1>, vector<16xi32>
      %reduce_min3A_46 = arith.constant true
      %reduce_min3A_47 = vector.broadcast %reduce_min3A_46 : i1 to vector<16xi1>
      %reduce_min3A_48 = tpu.scan <min>, %select_n3A masked %reduce_min3A_47 : vector<16xi32>, vector<16xi1> -> vector<16xi32>
      %reduce_min3A_49 = vector.extract %reduce_min3A_48[15] : i32 from vector<16xi32>
      %bitcast_convert_type3A_50 = tpu.bitcast %max3A_33 : vector<16xf32> -> vector<16xi32>
      %shift_right_logical3A_51 = arith.constant 31 : i32
      %shift_right_logical3A_52 = vector.broadcast %shift_right_logical3A_51 : i32 to vector<16xi32>
      %shift_right_logical3A_53 = arith.shrui %bitcast_convert_type3A_50, %shift_right_logical3A_52 : vector<16xi32>
      %eq3A_54 = arith.constant 1 : i32
      %eq3A_55 = vector.broadcast %eq3A_54 : i32 to vector<16xi32>
      %eq3A_56 = arith.cmpi eq, %shift_right_logical3A_53, %eq3A_55 : vector<16xi32>
      %not3A_57 = arith.constant dense<-1> : vector<16xi32>
      %not3A_58 = arith.xori %bitcast_convert_type3A_50, %not3A_57 : vector<16xi32>
      %or3A_59 = arith.constant -2147483648 : i32
      %or3A_60 = vector.broadcast %or3A_59 : i32 to vector<16xi32>
      %or3A_61 = arith.ori %bitcast_convert_type3A_50, %or3A_60 : vector<16xi32>
      %select_n3A_62 = arith.select %eq3A_56, %not3A_58, %or3A_61 : vector<16xi1>, vector<16xi32>
      %reduce_max3A = arith.constant true
      %reduce_max3A_63 = vector.broadcast %reduce_max3A : i1 to vector<16xi1>
      %reduce_max3A_64 = tpu.scan <max>, %select_n3A_62 masked %reduce_max3A_63 : vector<16xi32>, vector<16xi1> -> vector<16xi32>
      %reduce_max3A_65 = vector.extract %reduce_max3A_64[15] : i32 from vector<16xi32>
      %add3A_66 = arith.constant 1 : i32
      %add3A_67 = arith.addi %reduce_max3A_65, %add3A_66 : i32
      %scan3A_68 = arith.constant 0 : i32
      %scan3A_69 = arith.constant 128 : i32
      %scan3A_70 = arith.addi %scan3A_68, %scan3A_69 : i32
      %scan3A_71 = arith.constant 1 : i32
      %scan3A_72 = scf.for %scan3A_125 = %scan3A_68 to %scan3A_70 step %scan3A_71 iter_args(%scan3A_126 = %broadcast_in_dim3A_26) -> (vector<16xi32>)  : i32 {
        %mul3A_127 = arith.constant 4 : i32
        %mul3A_128 = arith.muli %scan3A_125, %mul3A_127 : i32
        %add3A_129 = arith.constant 0 : i32
        %add3A_130 = arith.addi %mul3A_128, %add3A_129 : i32
        %mul3A_131 = arith.constant 16 : i32
        %mul3A_132 = arith.muli %add3A_130, %mul3A_131 : i32
        %get3A = arith.index_cast %mul3A_132 : i32 to index
        %get3A_133 = tpu.vector_load %arg4[%get3A] {strides = array<i32>} : memref<8192xf32, #tpu.memory_space<vmem>>, vector<16xf32>,
        %ge3A = vector.broadcast %reduce_min3A_38 : f32 to vector<16xf32>
        %ge3A_134 = arith.cmpf oge, %get3A_133, %ge3A : vector<16xf32>
        %add3A_135 = arith.addi %mul3A_22, %scan3A_126 : vector<16xi32>
        %mul3A_136 = arith.constant 16 : i32
        %mul3A_137 = arith.muli %add3A_130, %mul3A_136 : i32
        %add3A_138 = vector.broadcast %mul3A_137 : i32 to vector<16xi32>
        %add3A_139 = arith.addi %iota3A, %add3A_138 : vector<16xi32>
        tpu.vector_store_idx %arg6[%add3A_135], %add3A_139 masked %ge3A_134 : memref<8192xi32, #tpu.memory_space<vmem>>[vector<16xi32>], vector<16xi32>, vector<16xi1>
        %select_n3A_140 = arith.select %ge3A_134, %broadcast_in_dim3A_24, %broadcast_in_dim3A_26 : vector<16xi1>, vector<16xi32>
        %add3A_141 = arith.addi %scan3A_126, %select_n3A_140 : vector<16xi32>
        %mul3A_142 = arith.constant 4 : i32
        %mul3A_143 = arith.muli %scan3A_125, %mul3A_142 : i32
        %add3A_144 = arith.constant 1 : i32
        %add3A_145 = arith.addi %mul3A_143, %add3A_144 : i32
        %mul3A_146 = arith.constant 16 : i32
        %mul3A_147 = arith.muli %add3A_145, %mul3A_146 : i32
        %get3A_148 = arith.index_cast %mul3A_147 : i32 to index
        %get3A_149 = tpu.vector_load %arg4[%get3A_148] {strides = array<i32>} : memref<8192xf32, #tpu.memory_space<vmem>>, vector<16xf32>,
        %ge3A_150 = vector.broadcast %reduce_min3A_38 : f32 to vector<16xf32>
        %ge3A_151 = arith.cmpf oge, %get3A_149, %ge3A_150 : vector<16xf32>
        %add3A_152 = arith.addi %mul3A_22, %add3A_141 : vector<16xi32>
        %mul3A_153 = arith.constant 16 : i32
        %mul3A_154 = arith.muli %add3A_145, %mul3A_153 : i32
        %add3A_155 = vector.broadcast %mul3A_154 : i32 to vector<16xi32>
        %add3A_156 = arith.addi %iota3A, %add3A_155 : vector<16xi32>
        tpu.vector_store_idx %arg6[%add3A_152], %add3A_156 masked %ge3A_151 : memref<8192xi32, #tpu.memory_space<vmem>>[vector<16xi32>], vector<16xi32>, vector<16xi1>
        %select_n3A_157 = arith.select %ge3A_151, %broadcast_in_dim3A_24, %broadcast_in_dim3A_26 : vector<16xi1>, vector<16xi32>
        %add3A_158 = arith.addi %add3A_141, %select_n3A_157 : vector<16xi32>
        %mul3A_159 = arith.constant 4 : i32
        %mul3A_160 = arith.muli %scan3A_125, %mul3A_159 : i32
        %add3A_161 = arith.constant 2 : i32
        %add3A_162 = arith.addi %mul3A_160, %add3A_161 : i32
        %mul3A_163 = arith.constant 16 : i32
        %mul3A_164 = arith.muli %add3A_162, %mul3A_163 : i32
        %get3A_165 = arith.index_cast %mul3A_164 : i32 to index
        %get3A_166 = tpu.vector_load %arg4[%get3A_165] {strides = array<i32>} : memref<8192xf32, #tpu.memory_space<vmem>>, vector<16xf32>,
        %ge3A_167 = vector.broadcast %reduce_min3A_38 : f32 to vector<16xf32>
        %ge3A_168 = arith.cmpf oge, %get3A_166, %ge3A_167 : vector<16xf32>
        %add3A_169 = arith.addi %mul3A_22, %add3A_158 : vector<16xi32>
        %mul3A_170 = arith.constant 16 : i32
        %mul3A_171 = arith.muli %add3A_162, %mul3A_170 : i32
        %add3A_172 = vector.broadcast %mul3A_171 : i32 to vector<16xi32>
        %add3A_173 = arith.addi %iota3A, %add3A_172 : vector<16xi32>
        tpu.vector_store_idx %arg6[%add3A_169], %add3A_173 masked %ge3A_168 : memref<8192xi32, #tpu.memory_space<vmem>>[vector<16xi32>], vector<16xi32>, vector<16xi1>
        %select_n3A_174 = arith.select %ge3A_168, %broadcast_in_dim3A_24, %broadcast_in_dim3A_26 : vector<16xi1>, vector<16xi32>
        %add3A_175 = arith.addi %add3A_158, %select_n3A_174 : vector<16xi32>
        %mul3A_176 = arith.constant 4 : i32
        %mul3A_177 = arith.muli %scan3A_125, %mul3A_176 : i32
        %add3A_178 = arith.constant 3 : i32
        %add3A_179 = arith.addi %mul3A_177, %add3A_178 : i32
        %mul3A_180 = arith.constant 16 : i32
        %mul3A_181 = arith.muli %add3A_179, %mul3A_180 : i32
        %get3A_182 = arith.index_cast %mul3A_181 : i32 to index
        %get3A_183 = tpu.vector_load %arg4[%get3A_182] {strides = array<i32>} : memref<8192xf32, #tpu.memory_space<vmem>>, vector<16xf32>,
        %ge3A_184 = vector.broadcast %reduce_min3A_38 : f32 to vector<16xf32>
        %ge3A_185 = arith.cmpf oge, %get3A_183, %ge3A_184 : vector<16xf32>
        %add3A_186 = arith.addi %mul3A_22, %add3A_175 : vector<16xi32>
        %mul3A_187 = arith.constant 16 : i32
        %mul3A_188 = arith.muli %add3A_179, %mul3A_187 : i32
        %add3A_189 = vector.broadcast %mul3A_188 : i32 to vector<16xi32>
        %add3A_190 = arith.addi %iota3A, %add3A_189 : vector<16xi32>
        tpu.vector_store_idx %arg6[%add3A_186], %add3A_190 masked %ge3A_185 : memref<8192xi32, #tpu.memory_space<vmem>>[vector<16xi32>], vector<16xi32>, vector<16xi1>
        %select_n3A_191 = arith.select %ge3A_185, %broadcast_in_dim3A_24, %broadcast_in_dim3A_26 : vector<16xi1>, vector<16xi32>
        %add3A_192 = arith.addi %add3A_175, %select_n3A_191 : vector<16xi32>
        scf.yield %add3A_192 : vector<16xi32>
      }
      %scan3A_73 = arith.constant 128 : i32
      %reduce_max3A_74 = arith.constant true
      %reduce_max3A_75 = vector.broadcast %reduce_max3A_74 : i1 to vector<16xi1>
      %reduce_max3A_76 = arith.constant -2147483648 : i32
      %reduce_max3A_77 = vector.broadcast %reduce_max3A_76 : i32 to vector<16xi32>
      %reduce_max3A_78 = arith.xori %scan3A_72, %reduce_max3A_77 : vector<16xi32>
      %reduce_max3A_79 = tpu.scan <max>, %reduce_max3A_78 masked %reduce_max3A_75 : vector<16xi32>, vector<16xi1> -> vector<16xi32>
      %reduce_max3A_80 = arith.xori %reduce_max3A_79, %reduce_max3A_77 : vector<16xi32>
      %reduce_max3A_81 = vector.extract %reduce_max3A_80[15] : i32 from vector<16xi32>
      %while3A = arith.constant 0 : i32
      %while3A_82 = arith.constant 0 : i32
      %while3A_83 = arith.subi %reduce_max3A_81, %while3A : i32
      %while3A_84 = arith.addi %while3A, %while3A_83 : i32
      %while3A_85 = arith.constant 1 : i32
      %while3A_86 = arith.divsi %while3A_83, %while3A_85 : i32
      %while3A_87 = arith.muli %while3A_86, %while3A_85 : i32
      %while3A_88 = arith.addi %while3A, %while3A_87 : i32
      %while3A_89 = arith.constant 1 : i32
      %while3A_90 = scf.for %while3A_125 = %while3A to %while3A_88 step %while3A_89 iter_args(%while3A_126 = %while3A_82) -> (i32)  : i32 {
        %add3A_127 = vector.broadcast %while3A_125 : i32 to vector<16xi32>
        %add3A_128 = arith.addi %mul3A_22, %add3A_127 : vector<16xi32>
        %gather3A = tpu.vector_load_idx %arg6[%add3A_128] : memref<8192xi32, #tpu.memory_space<vmem>>[vector<16xi32>], vector<16xi32>,
        %gather3A_129 = tpu.vector_load_idx %arg4[%gather3A] : memref<8192xf32, #tpu.memory_space<vmem>>[vector<16xi32>], vector<16xf32>,
        %gt3A = vector.broadcast %while3A_125 : i32 to vector<16xi32>
        %gt3A_130 = arith.cmpi sgt, %scan3A_72, %gt3A : vector<16xi32>
        %bitcast_convert_type3A_131 = tpu.bitcast %gather3A_129 : vector<16xf32> -> vector<16xi32>
        %shift_right_logical3A_132 = arith.constant 31 : i32
        %shift_right_logical3A_133 = vector.broadcast %shift_right_logical3A_132 : i32 to vector<16xi32>
        %shift_right_logical3A_134 = arith.shrui %bitcast_convert_type3A_131, %shift_right_logical3A_133 : vector<16xi32>
        %eq3A_135 = arith.constant 1 : i32
        %eq3A_136 = vector.broadcast %eq3A_135 : i32 to vector<16xi32>
        %eq3A_137 = arith.cmpi eq, %shift_right_logical3A_134, %eq3A_136 : vector<16xi32>
        %not3A_138 = arith.constant dense<-1> : vector<16xi32>
        %not3A_139 = arith.xori %bitcast_convert_type3A_131, %not3A_138 : vector<16xi32>
        %or3A_140 = arith.constant -2147483648 : i32
        %or3A_141 = vector.broadcast %or3A_140 : i32 to vector<16xi32>
        %or3A_142 = arith.ori %bitcast_convert_type3A_131, %or3A_141 : vector<16xi32>
        %select_n3A_143 = arith.select %eq3A_137, %not3A_139, %or3A_142 : vector<16xi1>, vector<16xi32>
        %jit3A = arith.constant 0 : i32
        %broadcast_in_dim3A_144 = vector.broadcast %jit3A : i32 to vector<16xi32>
        %select_n3A_145 = arith.select %gt3A_130, %select_n3A_143, %broadcast_in_dim3A_144 : vector<16xi1>, vector<16xi32>
        %mul3A_146 = arith.constant 16 : i32
        %mul3A_147 = arith.muli %while3A_125, %mul3A_146 : i32
        %swap3A = arith.index_cast %mul3A_147 : i32 to index
        %swap3A_148 = tpu.vector_load %arg7[%swap3A] {strides = array<i32>} : memref<8192xi32, #tpu.memory_space<vmem>>, vector<16xi32>,
        tpu.vector_store %arg7[%swap3A], %select_n3A_145 {strides = array<i32>} : memref<8192xi32, #tpu.memory_space<vmem>>, vector<16xi32>,
        %while3A_149 = arith.constant 0 : i32
        scf.yield %while3A_149 : i32
      }
      %while3A_91 = arith.constant 1 : i32
      %while3A_92 = scf.for %while3A_125 = %while3A_88 to %while3A_84 step %while3A_91 iter_args(%while3A_126 = %while3A_90) -> (i32)  : i32 {
        %add3A_127 = vector.broadcast %while3A_125 : i32 to vector<16xi32>
        %add3A_128 = arith.addi %mul3A_22, %add3A_127 : vector<16xi32>
        %gather3A = tpu.vector_load_idx %arg6[%add3A_128] : memref<8192xi32, #tpu.memory_space<vmem>>[vector<16xi32>], vector<16xi32>,
        %gather3A_129 = tpu.vector_load_idx %arg4[%gather3A] : memref<8192xf32, #tpu.memory_space<vmem>>[vector<16xi32>], vector<16xf32>,
        %gt3A = vector.broadcast %while3A_125 : i32 to vector<16xi32>
        %gt3A_130 = arith.cmpi sgt, %scan3A_72, %gt3A : vector<16xi32>
        %bitcast_convert_type3A_131 = tpu.bitcast %gather3A_129 : vector<16xf32> -> vector<16xi32>
        %shift_right_logical3A_132 = arith.constant 31 : i32
        %shift_right_logical3A_133 = vector.broadcast %shift_right_logical3A_132 : i32 to vector<16xi32>
        %shift_right_logical3A_134 = arith.shrui %bitcast_convert_type3A_131, %shift_right_logical3A_133 : vector<16xi32>
        %eq3A_135 = arith.constant 1 : i32
        %eq3A_136 = vector.broadcast %eq3A_135 : i32 to vector<16xi32>
        %eq3A_137 = arith.cmpi eq, %shift_right_logical3A_134, %eq3A_136 : vector<16xi32>
        %not3A_138 = arith.constant dense<-1> : vector<16xi32>
        %not3A_139 = arith.xori %bitcast_convert_type3A_131, %not3A_138 : vector<16xi32>
        %or3A_140 = arith.constant -2147483648 : i32
        %or3A_141 = vector.broadcast %or3A_140 : i32 to vector<16xi32>
        %or3A_142 = arith.ori %bitcast_convert_type3A_131, %or3A_141 : vector<16xi32>
        %select_n3A_143 = arith.select %eq3A_137, %not3A_139, %or3A_142 : vector<16xi1>, vector<16xi32>
        %jit3A = arith.constant 0 : i32
        %broadcast_in_dim3A_144 = vector.broadcast %jit3A : i32 to vector<16xi32>
        %select_n3A_145 = arith.select %gt3A_130, %select_n3A_143, %broadcast_in_dim3A_144 : vector<16xi1>, vector<16xi32>
        %mul3A_146 = arith.constant 16 : i32
        %mul3A_147 = arith.muli %while3A_125, %mul3A_146 : i32
        %swap3A = arith.index_cast %mul3A_147 : i32 to index
        %swap3A_148 = tpu.vector_load %arg7[%swap3A] {strides = array<i32>} : memref<8192xi32, #tpu.memory_space<vmem>>, vector<16xi32>,
        tpu.vector_store %arg7[%swap3A], %select_n3A_145 {strides = array<i32>} : memref<8192xi32, #tpu.memory_space<vmem>>, vector<16xi32>,
        %while3A_149 = arith.constant 0 : i32
        scf.yield %while3A_149 : i32
      }
      %while3A_93:2 = scf.while (%while3A_125 = %reduce_min3A_49, %while3A_126 = %add3A_67) : (i32, i32) -> (i32, i32) {
        %sub3A = arith.subi %while3A_126, %while3A_125 : i32
        %gt3A = arith.constant 1 : i32
        %gt3A_127 = arith.cmpi ugt, %sub3A, %gt3A : i32
        scf.condition(%gt3A_127) %while3A_125, %while3A_126 : i32, i32
      } do {
      ^bb0(%while3A_125: i32, %while3A_126: i32):
        %sub3A = arith.subi %while3A_126, %while3A_125 : i32
        %shift_right_logical3A_127 = arith.constant 1 : i32
        %shift_right_logical3A_128 = arith.shrui %sub3A, %shift_right_logical3A_127 : i32
        %add3A_129 = arith.addi %while3A_125, %shift_right_logical3A_128 : i32
        %while3A_130 = arith.constant 0 : i32
        %while3A_131 = arith.subi %reduce_max3A_81, %while3A_130 : i32
        %while3A_132 = arith.addi %while3A_130, %while3A_131 : i32
        %while3A_133 = arith.constant 1 : i32
        %while3A_134 = arith.divsi %while3A_131, %while3A_133 : i32
        %while3A_135 = arith.muli %while3A_134, %while3A_133 : i32
        %while3A_136 = arith.addi %while3A_130, %while3A_135 : i32
        %while3A_137 = arith.constant 1 : i32
        %while3A_138 = scf.for %while3A_149 = %while3A_130 to %while3A_136 step %while3A_137 iter_args(%while3A_150 = %broadcast_in_dim3A_26) -> (vector<16xi32>)  : i32 {
          %mul3A_151 = arith.constant 16 : i32
          %mul3A_152 = arith.muli %while3A_149, %mul3A_151 : i32
          %get3A = arith.index_cast %mul3A_152 : i32 to index
          %get3A_153 = tpu.vector_load %arg7[%get3A] {strides = array<i32>} : memref<8192xi32, #tpu.memory_space<vmem>>, vector<16xi32>,
          %ge3A_154 = vector.broadcast %add3A_129 : i32 to vector<16xi32>
          %ge3A_155 = arith.cmpi uge, %get3A_153, %ge3A_154 : vector<16xi32>
          %convert_element_type3A = arith.extui %ge3A_155 : vector<16xi1> to vector<16xi32>
          %add3A_156 = arith.addi %while3A_150, %convert_element_type3A : vector<16xi32>
          scf.yield %add3A_156 : vector<16xi32>
        }
        %while3A_139 = arith.constant 1 : i32
        %while3A_140 = scf.for %while3A_149 = %while3A_136 to %while3A_132 step %while3A_139 iter_args(%while3A_150 = %while3A_138) -> (vector<16xi32>)  : i32 {
          %mul3A_151 = arith.constant 16 : i32
          %mul3A_152 = arith.muli %while3A_149, %mul3A_151 : i32
          %get3A = arith.index_cast %mul3A_152 : i32 to index
          %get3A_153 = tpu.vector_load %arg7[%get3A] {strides = array<i32>} : memref<8192xi32, #tpu.memory_space<vmem>>, vector<16xi32>,
          %ge3A_154 = vector.broadcast %add3A_129 : i32 to vector<16xi32>
          %ge3A_155 = arith.cmpi uge, %get3A_153, %ge3A_154 : vector<16xi32>
          %convert_element_type3A = arith.extui %ge3A_155 : vector<16xi1> to vector<16xi32>
          %add3A_156 = arith.addi %while3A_150, %convert_element_type3A : vector<16xi32>
          scf.yield %add3A_156 : vector<16xi32>
        }
        %reduce_sum3A = arith.constant true
        %reduce_sum3A_141 = vector.broadcast %reduce_sum3A : i1 to vector<16xi1>
        %reduce_sum3A_142 = tpu.scan <sum>, %while3A_140 masked %reduce_sum3A_141 : vector<16xi32>, vector<16xi1> -> vector<16xi32>
        %reduce_sum3A_143 = vector.extract %reduce_sum3A_142[15] : i32 from vector<16xi32>
        %ge3A = arith.constant 64 : i32
        %ge3A_144 = arith.cmpi sge, %reduce_sum3A_143, %ge3A : i32
        %select_n3A_145 = arith.select %ge3A_144, %add3A_129, %while3A_125 : i32
        %ge3A_146 = arith.constant 64 : i32
        %ge3A_147 = arith.cmpi sge, %reduce_sum3A_143, %ge3A_146 : i32
        %select_n3A_148 = arith.select %ge3A_147, %while3A_126, %add3A_129 : i32
        scf.yield %select_n3A_145, %select_n3A_148 : i32, i32
      }
      %while3A_94 = arith.constant 0 : i32
      %while3A_95 = arith.constant 0 : i32
      %while3A_96 = arith.subi %reduce_max3A_81, %while3A_94 : i32
      %while3A_97 = arith.addi %while3A_94, %while3A_96 : i32
      %while3A_98 = arith.constant 1 : i32
      %while3A_99 = arith.divsi %while3A_96, %while3A_98 : i32
      %while3A_100 = arith.muli %while3A_99, %while3A_98 : i32
      %while3A_101 = arith.addi %while3A_94, %while3A_100 : i32
      %while3A_102 = arith.constant 1 : i32
      %while3A_103 = scf.for %while3A_125 = %while3A_94 to %while3A_101 step %while3A_102 iter_args(%while3A_126 = %while3A_95) -> (i32)  : i32 {
        %mul3A_127 = arith.constant 16 : i32
        %mul3A_128 = arith.muli %while3A_125, %mul3A_127 : i32
        %get3A = arith.index_cast %mul3A_128 : i32 to index
        %get3A_129 = tpu.vector_load %arg7[%get3A] {strides = array<i32>} : memref<8192xi32, #tpu.memory_space<vmem>>, vector<16xi32>,
        %ge3A = vector.broadcast %while3A_93#0 : i32 to vector<16xi32>
        %ge3A_130 = arith.cmpi uge, %get3A_129, %ge3A : vector<16xi32>
        %add3A_131 = vector.broadcast %while3A_125 : i32 to vector<16xi32>
        %add3A_132 = arith.addi %mul3A_22, %add3A_131 : vector<16xi32>
        %gather3A = tpu.vector_load_idx %arg6[%add3A_132] : memref<8192xi32, #tpu.memory_space<vmem>>[vector<16xi32>], vector<16xi32>,
        %ge3A_133 = arith.constant -2147483648 : i32
        %ge3A_134 = vector.broadcast %ge3A_133 : i32 to vector<16xi32>
        %ge3A_135 = arith.cmpi uge, %get3A_129, %ge3A_134 : vector<16xi32>
        %xor3A = arith.constant -2147483648 : i32
        %xor3A_136 = vector.broadcast %xor3A : i32 to vector<16xi32>
        %xor3A_137 = arith.xori %get3A_129, %xor3A_136 : vector<16xi32>
        %not3A_138 = arith.constant dense<-1> : vector<16xi32>
        %not3A_139 = arith.xori %get3A_129, %not3A_138 : vector<16xi32>
        %select_n3A_140 = arith.select %ge3A_135, %xor3A_137, %not3A_139 : vector<16xi1>, vector<16xi32>
        %bitcast_convert_type3A_141 = tpu.bitcast %select_n3A_140 : vector<16xi32> -> vector<16xf32>
        tpu.vector_store_idx %arg5[%gather3A], %bitcast_convert_type3A_141 masked %ge3A_130 : memref<8192xf32, #tpu.memory_space<vmem>>[vector<16xi32>], vector<16xf32>, vector<16xi1>
        %while3A_142 = arith.constant 0 : i32
        scf.yield %while3A_142 : i32
      }
      %while3A_104 = arith.constant 1 : i32
      %while3A_105 = scf.for %while3A_125 = %while3A_101 to %while3A_97 step %while3A_104 iter_args(%while3A_126 = %while3A_103) -> (i32)  : i32 {
        %mul3A_127 = arith.constant 16 : i32
        %mul3A_128 = arith.muli %while3A_125, %mul3A_127 : i32
        %get3A = arith.index_cast %mul3A_128 : i32 to index
        %get3A_129 = tpu.vector_load %arg7[%get3A] {strides = array<i32>} : memref<8192xi32, #tpu.memory_space<vmem>>, vector<16xi32>,
        %ge3A = vector.broadcast %while3A_93#0 : i32 to vector<16xi32>
        %ge3A_130 = arith.cmpi uge, %get3A_129, %ge3A : vector<16xi32>
        %add3A_131 = vector.broadcast %while3A_125 : i32 to vector<16xi32>
        %add3A_132 = arith.addi %mul3A_22, %add3A_131 : vector<16xi32>
        %gather3A = tpu.vector_load_idx %arg6[%add3A_132] : memref<8192xi32, #tpu.memory_space<vmem>>[vector<16xi32>], vector<16xi32>,
        %ge3A_133 = arith.constant -2147483648 : i32
        %ge3A_134 = vector.broadcast %ge3A_133 : i32 to vector<16xi32>
        %ge3A_135 = arith.cmpi uge, %get3A_129, %ge3A_134 : vector<16xi32>
        %xor3A = arith.constant -2147483648 : i32
        %xor3A_136 = vector.broadcast %xor3A : i32 to vector<16xi32>
        %xor3A_137 = arith.xori %get3A_129, %xor3A_136 : vector<16xi32>
        %not3A_138 = arith.constant dense<-1> : vector<16xi32>
        %not3A_139 = arith.xori %get3A_129, %not3A_138 : vector<16xi32>
        %select_n3A_140 = arith.select %ge3A_135, %xor3A_137, %not3A_139 : vector<16xi1>, vector<16xi32>
        %bitcast_convert_type3A_141 = tpu.bitcast %select_n3A_140 : vector<16xi32> -> vector<16xf32>
        tpu.vector_store_idx %arg5[%gather3A], %bitcast_convert_type3A_141 masked %ge3A_130 : memref<8192xf32, #tpu.memory_space<vmem>>[vector<16xi32>], vector<16xf32>, vector<16xi1>
        %while3A_142 = arith.constant 0 : i32
        scf.yield %while3A_142 : i32
      }
      "tpu.region"() ({
        %run_scoped3A = tpu.sem_alloc : memref<!tpu.dma_semaphore, #tpu.memory_space<semaphore_mem>>
        %dma_start3A = arith.constant 0 : i32
        %dma_start3A_125 = tpu.memref_slice %arg3[%add3A_19, %dma_start3A] : memref<1024x8192xf32, #tpu.memory_space<hbm>> -> memref<1x8192xf32, #tpu.memory_space<hbm>>
        %dma_start3A_126 = tpu.memref_squeeze %dma_start3A_125 : memref<1x8192xf32, #tpu.memory_space<hbm>> -> memref<8192xf32, #tpu.memory_space<hbm>>
        %dma_start3A_127 = arith.constant 0 : i32
        %dma_start3A_128 = tpu.memref_slice %arg3[%add3A_19, %dma_start3A_127] : memref<1024x8192xf32, #tpu.memory_space<hbm>> -> memref<1x8192xf32, #tpu.memory_space<hbm>>
        %dma_start3A_129 = tpu.memref_squeeze %dma_start3A_128 : memref<1x8192xf32, #tpu.memory_space<hbm>> -> memref<8192xf32, #tpu.memory_space<hbm>>
        tpu.enqueue_dma source(%arg5 : memref<8192xf32, #tpu.memory_space<vmem>>) target(%dma_start3A_129 : memref<8192xf32, #tpu.memory_space<hbm>>) target_semaphore(%run_scoped3A : memref<!tpu.dma_semaphore, #tpu.memory_space<semaphore_mem>>)
        %dma_wait3A = arith.constant 0 : i32
        %dma_wait3A_130 = tpu.memref_slice %arg3[%add3A_19, %dma_wait3A] : memref<1024x8192xf32, #tpu.memory_space<hbm>> -> memref<1x8192xf32, #tpu.memory_space<hbm>>
        %dma_wait3A_131 = tpu.memref_squeeze %dma_wait3A_130 : memref<1x8192xf32, #tpu.memory_space<hbm>> -> memref<8192xf32, #tpu.memory_space<hbm>>
        %dma_wait3A_132 = arith.constant 0 : i32
        %dma_wait3A_133 = tpu.memref_slice %arg3[%add3A_19, %dma_wait3A_132] : memref<1024x8192xf32, #tpu.memory_space<hbm>> -> memref<1x8192xf32, #tpu.memory_space<hbm>>
        %dma_wait3A_134 = tpu.memref_squeeze %dma_wait3A_133 : memref<1x8192xf32, #tpu.memory_space<hbm>> -> memref<8192xf32, #tpu.memory_space<hbm>>
        tpu.wait_dma2 semaphore(%run_scoped3A : memref<!tpu.dma_semaphore, #tpu.memory_space<semaphore_mem>>) src(%arg5 : memref<8192xf32, #tpu.memory_space<vmem>>) dst(%dma_wait3A_134 : memref<8192xf32, #tpu.memory_space<hbm>>)
        tpu.yield
      }) : () -> ()
      %iota3A_106 = tpu.iota {dimensions = array<i32: 0>} : vector<16xi32>
      %mul3A_107 = arith.constant 512 : i32
      %mul3A_108 = vector.broadcast %mul3A_107 : i32 to vector<16xi32>
      %mul3A_109 = arith.muli %iota3A_106, %mul3A_108 : vector<16xi32>
      %broadcast_in_dim3A_110 = arith.constant 0.000000e+00 : f32
      %broadcast_in_dim3A_111 = vector.broadcast %broadcast_in_dim3A_110 : f32 to vector<16xf32>
      %while3A_112 = arith.constant 0 : i32
      %while3A_113 = arith.constant 0 : i32
      %while3A_114 = arith.subi %reduce_max3A_81, %while3A_112 : i32
      %while3A_115 = arith.addi %while3A_112, %while3A_114 : i32
      %while3A_116 = arith.constant 1 : i32
      %while3A_117 = arith.divsi %while3A_114, %while3A_116 : i32
      %while3A_118 = arith.muli %while3A_117, %while3A_116 : i32
      %while3A_119 = arith.addi %while3A_112, %while3A_118 : i32
      %while3A_120 = arith.constant 1 : i32
      %while3A_121 = scf.for %while3A_125 = %while3A_112 to %while3A_119 step %while3A_120 iter_args(%while3A_126 = %while3A_113) -> (i32)  : i32 {
        %mul3A_127 = arith.constant 16 : i32
        %mul3A_128 = arith.muli %while3A_125, %mul3A_127 : i32
        %get3A = arith.index_cast %mul3A_128 : i32 to index
        %get3A_129 = tpu.vector_load %arg7[%get3A] {strides = array<i32>} : memref<8192xi32, #tpu.memory_space<vmem>>, vector<16xi32>,
        %ge3A = vector.broadcast %while3A_93#0 : i32 to vector<16xi32>
        %ge3A_130 = arith.cmpi uge, %get3A_129, %ge3A : vector<16xi32>
        %add3A_131 = vector.broadcast %while3A_125 : i32 to vector<16xi32>
        %add3A_132 = arith.addi %mul3A_109, %add3A_131 : vector<16xi32>
        %gather3A = tpu.vector_load_idx %arg6[%add3A_132] : memref<8192xi32, #tpu.memory_space<vmem>>[vector<16xi32>], vector<16xi32>,
        tpu.vector_store_idx %arg5[%gather3A], %broadcast_in_dim3A_111 masked %ge3A_130 : memref<8192xf32, #tpu.memory_space<vmem>>[vector<16xi32>], vector<16xf32>, vector<16xi1>
        %while3A_133 = arith.constant 0 : i32
        scf.yield %while3A_133 : i32
      }
      %while3A_122 = arith.constant 1 : i32
      %while3A_123 = scf.for %while3A_125 = %while3A_119 to %while3A_115 step %while3A_122 iter_args(%while3A_126 = %while3A_121) -> (i32)  : i32 {
        %mul3A_127 = arith.constant 16 : i32
        %mul3A_128 = arith.muli %while3A_125, %mul3A_127 : i32
        %get3A = arith.index_cast %mul3A_128 : i32 to index
        %get3A_129 = tpu.vector_load %arg7[%get3A] {strides = array<i32>} : memref<8192xi32, #tpu.memory_space<vmem>>, vector<16xi32>,
        %ge3A = vector.broadcast %while3A_93#0 : i32 to vector<16xi32>
        %ge3A_130 = arith.cmpi uge, %get3A_129, %ge3A : vector<16xi32>
        %add3A_131 = vector.broadcast %while3A_125 : i32 to vector<16xi32>
        %add3A_132 = arith.addi %mul3A_109, %add3A_131 : vector<16xi32>
        %gather3A = tpu.vector_load_idx %arg6[%add3A_132] : memref<8192xi32, #tpu.memory_space<vmem>>[vector<16xi32>], vector<16xi32>,
        tpu.vector_store_idx %arg5[%gather3A], %broadcast_in_dim3A_111 masked %ge3A_130 : memref<8192xf32, #tpu.memory_space<vmem>>[vector<16xi32>], vector<16xf32>, vector<16xi1>
        %while3A_133 = arith.constant 0 : i32
        scf.yield %while3A_133 : i32
      }
      %scan3A_124 = arith.constant 0 : i32
      scf.yield %scan3A_124 : i32
    }
    %scan3A_16 = arith.constant 32 : i32
    return
  }
}

</mosaic_0001>

<sc_bundles>
// kernel: _sc_topk.3.cloned.1.call-start
scs
__scs_entry_jumppad:
0x0: {  	(pc) =	sbr.rel $0x88, $3  }
0x1: {  	(tag) =	ssettag $0x0;
	lr =	simm.s32 $0x1  }
0x2: {  	[smem:$0x3FA0] =	sst lr;
	_ =	strace $0xD0000000  }
0x3: {  	_ = 	snop  }
0x4: {  	_ = 	snop  }
0x5: {  	_ = 	snop  }
0x6: {  	_ = 	snop  }
0x7: {  	_ = 	snop  }
__scs_overlays_trampoline_lowered:
0x8: {  	[smem:$0x3FAF] =	sst s0  }
0x9: {  	[smem:$0x3FB0] =	sst s1  }
0xa: {  	[smem:$0x3FB1] =	sst s2  }
0xb: {  	[smem:$0x3FB2] =	sst s3  }
0xc: {  	[smem:$0x3FB3] =	sst s4  }
0xd: {  	[smem:$0x3FB4] =	sst s5  }
0xe: {  	[smem:$0x3FB5] =	sst s6  }
0xf: {  	[smem:$0x3FB6] =	sst s7  }
0x10: {  	[smem:$0x3FB7] =	sst s8  }
0x11: {  	[smem:$0x3FB8] =	sst s9;
	s0 =	simm.s32 @!p0 $0x0  }
0x12: {  	s1 =	sld [smem:$0x3F9E];
	s0 =	simm.s32 @p0 $0x1  }
0x13: {  	[smem:$0x3FB9] =	sst s0;
	s0 =	simm.s32 @!p1 $0x0  }
0x14: {  	s2 =	sld [smem:$0x3F9D];
	s0 =	simm.s32 @p1 $0x1  }
0x15: {  	[smem:$0x3FBA] =	sst s0;
	s0 =	simm.s32 @!p2 $0x0  }
0x16: {  	s3 =	sld [smem:$0x3FDB];
	s0 =	simm.s32 @p2 $0x1  }
0x17: {  	s4 =	simm.s32 $0x1BF5;
	[smem:$0x3FBC] =	sst s0  }
0x18: {  	s0 =	sld [smem:$0x3F9F];
	_ =	swait.ge [sflag:s4], $0x0  }
0x19: {  	s7 =	sld [smem:$0x3FA0]  }
0x1a: {  	s8 =	sadd.s32 $0xFFFFE003, lr  }
0x1b: {  	s9 =	sadd.s32 $0xFFFFFEF7, lr;
	s5 =	simm.s32 $0xFFFFFFFF;
	p2 =	slt.u32 s8, $0xFFFFF086  }
0x1c: {  	p1 =	slt.u32 s9, $0xF7A;
	s5 =	simm.s32 @!p2 $0x0  }
0x1d: {  	s5 =	simm.s32 @p1 $0x1;
	p0 =	seq.s32 s7, s2  }
0x1e: {  	s7 =	smul.u32 @!p0 $0xF7A, s2;
	p2 =	seq.s32 @!p0 s5, $0x0  }
0x1f: {  	s9 =	smul.u32 $0xF7A, s1;
	s8 =	simm.s32 @!p0 $0x1BF5;
	p2 =	por !p2, p0  }
0x20: {  	[sflag:s8] =	ssyncset.s32 @!p0 $0xFFFFF086;
	s6 =	sadd.s32 @!p0 s3, s7;
	s7 =	simm.s32 @!p0 $0x108  }
0x21: {  	s3 =	sadd.s32 s3, s9;
	s6 =	sadd.s32 @!p0 $0x88, s6;
	s7 =	simm.s32 @p2 $0x1082  }
0x22: {  	[simem:s7], [sflag:s8] =	dma.local @!p0 [hbm:s6], $0xF7A  }
0x23: {  	s9 =	sor.u32 $0xD0000000, s2;
	s6 =	simm.s32 $0x108;
	_ =	swait.ge @!p0 [sflag:s8], $0x0  }
0x24: {  	s3 =	sadd.s32 $0x88, s3;
	s6 =	simm.s32 @!p1 $0x1082;
	[sflag:s4] =	ssyncset.s32 $0xFFFFF086  }
0x25: {  	[simem:s6], [sflag:s4] =	dma.local [hbm:s3], $0xF7A  }
0x26: {  	[smem:$0x3FA0] =	sst s1;
	(tag) =	ssettag s2;
	_ =	strace s9  }
0x27: {  	s1 =	sld [smem:$0x3FB0]  }
0x28: {  	s2 =	sld [smem:$0x3FB1]  }
0x29: {  	s4 =	sld [smem:$0x3FB3]  }
0x2a: {  	p0 =	seq.s32 s5, $0x0;
	s5 =	sld [smem:$0x3FB4]  }
0x2b: {  	s6 =	sld [smem:$0x3FB5]  }
0x2c: {  	s7 =	sld [smem:$0x3FB6]  }
0x2d: {  	s3 =	simm.s32 $0x108;
	s8 =	sld [smem:$0x3FB7]  }
0x2e: {  	s3 =	simm.s32 @!p0 $0x1082;
	s9 =	sld [smem:$0x3FB8]  }
0x2f: {  	lr =	sadd.s32 s0, s3;
	s0 =	sld [smem:$0x3FAF]  }
0x30: {  	s3 =	sld [smem:$0x3FB2]  }
0x31: {  	[smem:$0x3FBB] =	sst s10  }
0x32: {  	s10 =	sld [smem:$0x3FB9];
	_ =	sdelay $0x3  }
0x33: {  	p0 =	seq.s32 s10, $0x1;
	s10 =	sld [smem:$0x3FBB];
	_ =	sdelay $0x3  }
0x34: {  	[smem:$0x3FBB] =	sst s10  }
0x35: {  	s10 =	sld [smem:$0x3FBA];
	_ =	sdelay $0x3  }
0x36: {  	p1 =	seq.s32 s10, $0x1;
	s10 =	sld [smem:$0x3FBB];
	_ =	sdelay $0x3  }
0x37: {  	[smem:$0x3FBB] =	sst s10  }
0x38: {  	s10 =	sld [smem:$0x3FBC]  }
0x39: {  	_ = 	snop;
	(pc) =	sbr.ind lr, $3  }
0x3a: {  	_ = 	snop  }
0x3b: {  	_ = 	snop  }
0x3c: {  	p2 =	seq.s32 s10, $0x1;
	s10 =	sld [smem:$0x3FBB]  }
0x3d: {  	_ =	shalt  }
0x3e: {  	_ =	shalt  }
0x3f: {  	_ =	shalt  }
0x40: {  	_ =	shalt  }
0x41: {  	_ =	shalt  }
0x42: {  	_ =	shalt  }
0x43: {  	_ =	shalt  }
0x44: {  	_ =	shalt  }
0x45: {  	_ =	shalt  }
0x46: {  	_ =	shalt  }
0x47: {  	_ =	shalt  }
0x48: {  	_ =	shalt  }
0x49: {  	_ =	shalt  }
0x4a: {  	_ =	shalt  }
0x4b: {  	_ =	shalt  }
0x4c: {  	_ =	shalt  }
0x4d: {  	_ =	shalt  }
0x4e: {  	_ =	shalt  }
0x4f: {  	_ =	shalt  }
0x50: {  	_ =	shalt  }
0x51: {  	_ =	shalt  }
0x52: {  	_ =	shalt  }
0x53: {  	_ =	shalt  }
0x54: {  	_ =	shalt  }
0x55: {  	_ =	shalt  }
0x56: {  	_ =	shalt  }
0x57: {  	_ =	shalt  }
0x58: {  	_ =	shalt  }
0x59: {  	_ =	shalt  }
0x5a: {  	_ =	shalt  }
0x5b: {  	_ =	shalt  }
0x5c: {  	_ =	shalt  }
0x5d: {  	_ =	shalt  }
0x5e: {  	_ =	shalt  }
0x5f: {  	_ =	shalt  }
0x60: {  	_ =	shalt  }
0x61: {  	_ =	shalt  }
0x62: {  	_ =	shalt  }
0x63: {  	_ =	shalt  }
0x64: {  	_ =	shalt  }
0x65: {  	_ =	shalt  }
0x66: {  	_ =	shalt  }
0x67: {  	_ =	shalt  }
0x68: {  	_ =	shalt  }
0x69: {  	_ =	shalt  }
0x6a: {  	_ =	shalt  }
0x6b: {  	_ =	shalt  }
0x6c: {  	_ =	shalt  }
0x6d: {  	_ =	shalt  }
0x6e: {  	_ =	shalt  }
0x6f: {  	_ =	shalt  }
0x70: {  	_ =	shalt  }
0x71: {  	_ =	shalt  }
0x72: {  	_ =	shalt  }
0x73: {  	_ =	shalt  }
0x74: {  	_ =	shalt  }
0x75: {  	_ =	shalt  }
0x76: {  	_ =	shalt  }
0x77: {  	_ =	shalt  }
0x78: {  	_ =	shalt  }
0x79: {  	_ =	shalt  }
0x7a: {  	_ =	shalt  }
0x7b: {  	_ =	shalt  }
0x7c: {  	_ =	shalt  }
0x7d: {  	_ =	shalt  }
0x7e: {  	_ =	shalt  }
0x7f: {  	_ =	shalt  }
0x80: {  	_ =	shalt  }
0x81: {  	_ =	shalt  }
0x82: {  	_ =	shalt  }
0x83: {  	_ =	shalt  }
0x84: {  	_ =	shalt  }
0x85: {  	_ =	shalt  }
0x86: {  	_ =	shalt  }
0x87: {  	_ =	shalt  }
.Lfunc_end0:
.L_simem_size_0:
called_computation_lowered:
.L_overlay_start_0:
0x88: {  	s2 =	sld [smem:$0x3FD9]  }
0x89: {  	s3 =	sld [smem:$0x3FFE];
	_ =	sdelay $0x1  }
0x8a: {  	s1 =	srdreg.scid  }
0x8b: {  	s0 =	sand.u32 $0x1, s1  }
0x8c: {  	s18 =	sshll.u32 s0, $0xA;
	s2 =	sadd.s32 s3, s2  }
0x8d: {  	s2 =	sadd.s32 s2, s18  }
0x8e: {  	[smem:$0x3FC7] =	sst s2  }
0x8f: {  	_ = 	snop  }
0x90: {  	s2 =	sld [smem:$0x3FC9]  }
0x91: {  	s19 =	sld [smem:$0x3FD0];
	(tm) =	ssettm $0x1  }
0x92: {  	s4 =	sld [smem:$0x3FFB];
	_ =	sdelay $0x3  }
0x93: {  	_ =	strace s4  }
0x94: {  	s4 =	sld [smem:$0x3FFC];
	_ =	sdelay $0x3  }
0x95: {  	_ =	strace s4  }
0x96: {  	s4 =	sld [smem:$0x3FFD];
	_ =	sdelay $0x3  }
0x97: {  	_ =	strace s4  }
0x98: {  	_ =	strace $0x8FFFFFFF  }
0x99: {  	s20 =	sld [smem:$0x3FDB];
	_ =	sdelay $0x1  }
0x9a: {  	s5 =	simm.s32 $_scs_section_size  }
0x9b: {  	s6 =	simm.s32 $_size__tile_overlayer_lowered;
	s7 =	simm.s32 $_tile_overlayer_lowered  }
0x9c: {  	s23 =	simm.s32 $0x1BFF;
	s22 =	sshll.u32 s7, $0x1;
	s4 =	sadd.s32 s5, s20  }
0x9d: {  	s8 =	simm.s32 $0x0;
	s21 =	sshll.u32 s6, $0x1;
	s6 =	sadd.s32 s22, s4  }
0x9e: {  	[timem:s8], [sflag:s23] =	dma.local [hbm:s6], s21  }
0x9f: {  	_ =	swait.ge [sflag:s23], s21  }
0xa0: {  	s5 =	ssub.s32 $0x0, s21;
	[sflag:s23] =	ssyncset.done $0x0  }
0xa1: {  	[sflag:s23] =	ssyncadd.s32 s5;
	_ =	sdelay $0x1  }
0xa2: {  	s24 =	simm.s32 $0x1B8B  }
0xa3: {  	_ =	swait.ge [sflag:s24], $0x1  }
0xa4: {  	[sflag:s24] =	ssyncset.done $0x0  }
0xa5: {  	s25 =	simm.s32 $0x1B8E;
	[sflag:s24] =	ssyncadd.s32 $0xFFFFFFFF  }
0xa6: {  	s26 =	simm.s32 $execute0_lowered;
	[smem:$0x3FD2] =	sst s25  }
0xa7: {  	s5 =	sshll.u32 s26, $0x1;
	_ =	strace $0x80000046;
	[dreg:$0x1] =	wrdreg $0xFFFFFFFF  }
0xa8: {  	s28 =	simm.s32 $_size_execute0_lowered;
	s4 =	sadd.s32 s4, s5;
	[dreg:$0x0] =	wrdreg $0x0  }
0xa9: {  	s5 =	sshll.u32 s28, $0x1;
	[dreg:$0x2] =	wrdreg s4  }
0xaa: {  	[dreg:$0x3] =	wrdreg s5  }
0xab: {  	[dreg:$0x4] =	wrdreg $0xC0  }
0xac: {  	_ =	task [dreg:s8], $0x5FFFF  }
0xad: {  	[dreg:$0x1] =	wrdreg $0xFFFFFFFF  }
0xae: {  	[dreg:$0x0] =	wrdreg $0x60  }
0xaf: {  	[dreg:$0x2] =	wrdreg s2  }
0xb0: {  	[dreg:$0x3] =	wrdreg s19  }
0xb1: {  	[dreg:$0x4] =	wrdreg $0x9  }
0xb2: {  	_ =	task.clear_ibuf [dreg:s8], $0x5FFFF;
	_ =	strace $0x90000046  }
0xb3: {  	s29 =	simm.s32 $0x9;
	_ =	strace $0x80000048  }
0xb4: {  	_ =	swait.ge [sflag:s29], $0x1  }
0xb5: {  	[sflag:s29] =	ssyncadd.s32 $0xFFFFFFFF  }
0xb6: {  	_ =	strace $0x90000048  }
0xb7: {  	_ =	sfence  }
0xb8: {  	s30 =	sld [smem:$0x0];
	_ =	sdelay $0x2  }
0xb9: {  	s31 =	sshll.u32 s1, $0xD;
	s1 =	sshrl.u32 s1, $0x2  }
0xba: {  	s3 =	sand.u32 $0x4000, s31;
	s1 =	sadd.s32 s1, s30  }
0xbb: {  	s0 =	sor.u32 s3, s0;
	s1 =	sshll.u32 s1, $0x11  }
0xbc: {  	s0 =	sor.u32 s1, s0  }
0xbd: {  	s0 =	sadd.s32 $0x8F2B, s0  }
0xbe: {  	[sflag:s0] =	ssyncadd.remote.s32 $0x1  }
0xbf: {  	_ =	sfence.sel $0xFFFF  }
0xc0: {  	[dreg:$0x0] =	wrdreg $0xFFFFFFFF;
	(pc) =	sbr.abs _section_cstart, $3  }
0xc1: {  	[dreg:$0x1] =	wrdreg $0xFFFFFFFF  }
0xc2: {  	_ =	task.clear_ibuf [dreg:s8], $0x2FFFF;
	_ =	strace $0x9FFFFFFF  }
0xc3: {  	(tm) =	ssettm $0x7FFFFFFF  }
tec
execute0_lowered:
.L_overlay_start_1:
0x0: {  	(tag) =	ssettag $0x1  }
0x1: {  	s1 =	rddreg [dreg:$0x0];
	s0 =	srdreg.scid  }
0x2: {  	s2 =	rddreg [dreg:$0x1];
	s4 =	simm.s32 $0x0;
	s3 =	stileid.u32  }
0x3: {  	s8 =	simm.s32 $0x400;
	s9 =	simm.s32 $0x1;
	s10 =	simm.s32 $0x4000  }
.Ltmp0:
0x4: {  	s11 =	simm.s32 $0x2000;
	s5 =	sand.u32 $0x1, s0;
	(pc) =	sbr.rel .LBB2_1-.Ltmp0, $4  }
0x5: {  	s12 =	simm.s32 $0x0;
	s0 =	rddreg [dreg:$0x2];
	s6 =	ssub.s32 $0x2, s5  }
0x6: {  	v1 =	vlaneseq.u32;
	[smem:$0x7FF] =	sst s4;
	s31 =	sshll.u32 s3, $0x6;
	s7 =	sshrl.u32 s6, $0x1  }
0x7: {  	v3 =	vmul.u32 $0x200, v1;
	s5 =	sshll.u32 s5, $0x5;
	_ =	strace $0x80000047;
	s6 =	ssub.s32 s6, s7  }
0x8: {  	v0 =	vimm.f32 $0.0e+00;
	v2 =	vimm.s32 $0x0;
	v4 =	vimm.s32 $0x80000000;
	s5 =	sor.u32 s5, s31;
	s7 =	simm.s32 $0x80;
	s6 =	smax.u32 s6, $0x1  }
.LBB2_31:
0x9: {  	s12 =	sadd.s32 $0x1, s12  }
0xa: {  	p0 =	sne.s32 s12, s6  }
.Ltmp1:
0xb: {  	_ = 	snop;
	(pc) =	sbr.rel @!p0 .LBB2_32-.Ltmp1, $1  }
0xc: {  	_ =	sdelay $0x3  }
.LBB2_1:
0xd: {  	s13 =	simm.s32 $0x0  }
.LBB2_2:
0xe: {  	p0 =	sne.s32 s13, $0x7FC0  }
.Ltmp2:
0xf: {  	_ = 	snop;
	(pc) =	sbr.rel @p0 .LBB2_2-.Ltmp2, $4  }
0x10: {  	_ = 	snop  }
0x11: {  	s14 =	sshra.s32 s13, $0x2  }
0x12: {  	[tilespmem:s14+$0x2000] =	vst v0  }
0x13: {  	s13 =	sadd.s32 $0x40, s13;
	[tilespmem:s14+$0x4000] =	vst v2  }
.Ltmp3:
0x14: {  	(pc) =	sbr.rel .LBB2_4-.Ltmp3, $2  }
0x15: {  	_ =	sdelay $0x2  }
0x16: {  	s13 =	simm.s32 $0x0  }
.LBB2_29:
0x17: {  	s14 =	sadd.s32 s2, s14  }
0x18: {  	[hbm4b:s14+s7] =	stream.strided.scatter [tilespmem:s11], [sflag:$0x1], $0x2000, s8, s7, $0x38;
	[tilespmem:$0x8000] =	vst v63  }
0x19: {  	_ =	swait.ge [sflag:s9], $0x2000  }
0x1a: {  	[sflag:s9] =	ssyncset.done $0x0  }
0x1b: {  	[sflag:s9] =	ssyncadd.s32 $0xFFFFE000  }
.LBB2_30:
0x1c: {  	s13 =	sadd.s32 $0x1, s13  }
0x1d: {  	p0 =	sne.s32 s13, $0x20  }
.Ltmp4:
0x1e: {  	_ = 	snop;
	(pc) =	sbr.rel @!p0 .LBB2_31-.Ltmp4, $1  }
0x1f: {  	_ =	sdelay $0x3  }
.LBB2_4:
0x20: {  	s14 =	sadd.s32 s5, s13  }
0x21: {  	s15 =	sshll.u32 s13, $0x4;
	s14 =	sshll.u32 s14, $0xA  }
0x22: {  	s15 =	sand.u32 $0x70, s15;
	s14 =	sand.u32 $0xFE000, s14  }
0x23: {  	s14 =	sor.u32 s15, s14  }
0x24: {  	s15 =	sadd.s32 s1, s14  }
0x25: {  	[tilespmem:s4], [sflag:$0x1] =	stream.strided.gather [hbm4b:s15+s7], $0x2000, s8, s7, $0x38;
	[tilespmem:$0x8000] =	vst v63  }
0x26: {  	_ =	swait.ge [sflag:s9], $0x2000  }
0x27: {  	[sflag:s9] =	ssyncset.done $0x0  }
0x28: {  	s16 =	simm.s32 $0x40;
	[sflag:s9] =	ssyncadd.s32 $0xFFFFE000  }
0x29: {  	v12 =	vld [tilespmem:s16+$0x0]  }
0x2a: {  	v5 =	vld [tilespmem:s16+$0x10]  }
0x2b: {  	v9 =	vld [tilespmem:s16+$0x20]  }
0x2c: {  	v6 =	vld [tilespmem:s16+$0xFFFFFFC0]  }
0x2d: {  	v7 =	vld [tilespmem:s16+$0xFFFFFFD0]  }
0x2e: {  	v10 =	vld [tilespmem:s16+$0xFFFFFFE0]  }
0x2f: {  	v8 =	vimm.f32 $-Inf;
	v13 =	vld [tilespmem:s16+$0xFFFFFFF0]  }
0x30: {  	v14 =	vimm.f32 $-Inf;
	v15 =	vimm.f32 $-Inf;
	v16 =	vimm.f32 $-Inf;
	s15 =	simm.s32 $0x0;
	v11 =	vld [tilespmem:s16+$0x30];
	s16 =	simm.s32 $0xC0  }
.LBB2_5:
0x31: {  	v17 =	vld [tilespmem:s16+$0x0]  }
0x32: {  	v6 =	vmax.f32 v8, v6;
	s15 =	sadd.s32 $0x2, s15;
	v18 =	vld [tilespmem:s16+$0x10]  }
0x33: {  	v8 =	vmax.f32 v6, v12;
	p0 =	slt.u32 s15, $0x7E;
	v19 =	vld [tilespmem:s16+$0x20]  }
.Ltmp5:
0x34: {  	v20 =	vmax.f32 v14, v7;
	v10 =	vmax.f32 v15, v10;
	v6 =	vld [tilespmem:s16+$0xFFFFFFC0];
	v13 =	vmax.f32 v16, v13;
	(pc) =	sbr.rel @p0 .LBB2_5-.Ltmp5, $4  }
0x35: {  	v14 =	vmax.f32 v20, v5;
	v15 =	vmax.f32 v10, v9;
	v7 =	vld [tilespmem:s16+$0xFFFFFFD0];
	v16 =	vmax.f32 v13, v11  }
0x36: {  	v10 =	vld [tilespmem:s16+$0xFFFFFFE0];
	v12 =	vmov v17  }
0x37: {  	v13 =	vld [tilespmem:s16+$0xFFFFFFF0];
	v5 =	vmov v18  }
0x38: {  	v11 =	vld [tilespmem:s16+$0x30];
	s16 =	sadd.s32 $0x80, s16;
	v9 =	vmov v19  }
0x39: {  	_ = 	snop  }
0x3a: {  	v6 =	vmax.f32 v8, v6  }
0x3b: {  	v6 =	vmax.f32 v6, v12  }
0x3c: {  	v7 =	vmax.f32 v14, v7;
	v10 =	vmax.f32 v15, v10;
	v63 =	vmax.f32 v16, v13  }
0x3d: {  	v8 =	vmax.f32 v7, v5;
	v9 =	vmax.f32 v10, v9;
	v10 =	vmax.f32 v63, v11  }
0x3e: {  	v5 =	vmin.f32 v6, v8;
	v7 =	vmin.f32 v9, v10  }
0x3f: {  	v7 =	vmin.f32 v5, v7  }
0x40: {  	(xrf0) =	vmin.scan.msk.f32 $0xffff, v7;
	_ =	sdelay $0x5  }
0x41: {  	v5, _, _ =	vpop (xrf0)  }
0x42: {  	s15 =	simm.s32 $0x0;
	s16 =	simm.s32 $0x20;
	v11 =	vbroadcast v5, $0xF;
	v5 =	vimm.s32 $0x0  }
.LBB2_7:
0x43: {  	v12 =	vld [tilespmem:s16+$0xFFFFFFE0];
	_ =	sdelay $0x4  }
0x44: {  	vm0 =	vge.f32 v12, v11  }
0x45: {  	v54 =	vadd.s32 v3, v5;
	_ =	sdelay $0x3  }
0x46: {  	v13 =	vor.u32 s15, v1  }
0x47: {  	[tilespmem:v54+s10+$0x0] =	vst.idx.msk vm0, v13  }
0x48: {  	v12 =	vld [tilespmem:s16+$0xFFFFFFF0];
	_ =	sdelay $0x3  }
0x49: {  	v55 =	vsel vm0, $0x1, v2  }
0x4a: {  	v5 =	vadd.s32 v55, v5;
	vm13 =	vge.f32 v12, v11  }
0x4b: {  	v56 =	vadd.s32 v3, v5;
	_ =	sdelay $0x2  }
0x4c: {  	s17 =	sadd.s32 $0x10, s15  }
0x4d: {  	v57 =	vor.u32 s17, v1  }
0x4e: {  	[tilespmem:v56+s10+$0x0] =	vst.idx.msk vm13, v57  }
0x4f: {  	v12 =	vld [tilespmem:s16+$0x0];
	_ =	sdelay $0x3  }
0x50: {  	v58 =	vsel vm13, $0x1, v2  }
0x51: {  	v5 =	vadd.s32 v58, v5;
	vm14 =	vge.f32 v12, v11  }
0x52: {  	v59 =	vadd.s32 v3, v5;
	_ =	sdelay $0x2  }
0x53: {  	s30 =	sadd.s32 $0x20, s15  }
0x54: {  	v60 =	vor.u32 s30, v1  }
0x55: {  	[tilespmem:v59+s10+$0x0] =	vst.idx.msk vm14, v60  }
0x56: {  	v12 =	vld [tilespmem:s16+$0x10];
	_ =	sdelay $0x3  }
0x57: {  	v61 =	vsel vm14, $0x1, v2  }
0x58: {  	v5 =	vadd.s32 v61, v5;
	vm15 =	vge.f32 v12, v11  }
0x59: {  	p0 =	sne.s32 s15, $0x1FC0;
	v62 =	vadd.s32 v3, v5  }
.Ltmp6:
0x5a: {  	_ = 	snop;
	(pc) =	sbr.rel @p0 .LBB2_7-.Ltmp6, $4  }
0x5b: {  	_ = 	snop  }
0x5c: {  	s31 =	sadd.s32 $0x30, s15  }
0x5d: {  	v63 =	vor.u32 s31, v1;
	v14 =	vsel vm15, $0x1, v2  }
0x5e: {  	s15 =	sadd.s32 $0x40, s15;
	s16 =	sadd.s32 $0x40, s16;
	v5 =	vadd.s32 v14, v5;
	[tilespmem:v62+s10+$0x0] =	vst.idx.msk vm15, v63  }
0x5f: {  	v6 =	vmax.f32 v6, v8  }
0x60: {  	v59 =	vmax.f32 v9, v10;
	v60 =	vand.u32 $0x7FFFFFFF, v7;
	v61 =	vxor.u32 $0xFFFFFFFF, v7  }
0x61: {  	vm0 =	vlt.s32 v7, $0x0;
	v6 =	vmax.f32 v6, v59;
	v8 =	vxor.u32 $0x80000000, v60  }
0x62: {  	v7 =	vsel vm0, v61, v8;
	v62 =	vand.u32 $0x7FFFFFFF, v6  }
0x63: {  	v63 =	vxor.u32 $0xFFFFFFFF, v6;
	vm15 =	vlt.s32 v6, $0x0;
	v8 =	vxor.u32 $0x80000000, v62  }
0x64: {  	(xrf0) =	vmin.scan.msk.u32 $0xffff, v7;
	v6 =	vsel vm15, v63, v8  }
0x65: {  	(xrf0) =	vmax.scan.msk.u32 $0xffff, v6;
	v6 =	vxor.u32 $0x80000000, v5  }
0x66: {  	(xrf0) =	vmax.scan.msk.u32 $0xffff, v6;
	_ =	sdelay $0x3  }
0x67: {  	v6, _, _ =	vpop (xrf0)  }
0x68: {  	(v2sf) =	vpush v6, $0xF;
	v7, _, _ =	vpop (xrf0)  }
0x69: {  	(v2sf) =	vpush v7, $0xF;
	v6, _, _ =	vpop (xrf0)  }
0x6a: {  	(v2sf) =	vpush v6, $0xF;
	_ =	sdelay $0xc  }
0x6b: {  	s16 =	spop (v2sf)  }
0x6c: {  	s17 =	spop (v2sf)  }
0x6d: {  	s15 =	spop (v2sf)  }
0x6e: {  	s15 =	sxor.u32 $0x80000000, s15  }
0x6f: {  	p0 =	sgt.s32 s15, $0x0  }
.Ltmp7:
0x70: {  	_ = 	snop;
	(pc) =	sbr.rel @!p0 .LBB2_16-.Ltmp7, $1  }
0x71: {  	_ =	sdelay $0x3  }
0x72: {  	s21 =	simm.s32 $0x0  }
0x73: {  	v6 =	vadd.s32 s21, v3;
	_ =	sdelay $0x4  }
0x74: {  	v6 =	vld.idx.msk [tilespmem:v6+s10+$0x0], $0xffff;
	_ =	sdelay $0x2  }
0x75: {  	p1 =	seq.s32 s15, $0x1  }
.Ltmp8:
0x76: {  	_ = 	snop;
	(pc) =	sbr.rel @p1 .LBB2_10-.Ltmp8, $2  }
0x77: {  	_ =	sdelay $0x2  }
0x78: {  	s18 =	simm.s32 $0x6000;
	s19 =	simm.s32 $0x1;
	p0 =	por $0x0, $0x0;
	v6 =	vld.idx.msk [tilespmem:v6+s4+$0x0], $0xffff  }
0x79: {  	_ =	sdelay $0x3  }
0x7a: {  	v7 =	vadd.s32 s19, v3;
	v8 =	vand.u32 $0x7FFFFFFF, v6  }
0x7b: {  	v9 =	vxor.u32 $0xFFFFFFFF, v6;
	vm0 =	vlt.s32 v6, $0x0;
	v8 =	vxor.u32 $0x80000000, v8  }
0x7c: {  	vm1 =	vgt.s32 v5, s21;
	v6 =	vsel vm0, v9, v8  }
0x7d: {  	v6 =	vnsel vm1, $0x0, v6  }
0x7e: {  	[tilespmem:s18+$0x0] =	vst v6  }
0x7f: {  	v6 =	vld.idx.msk [tilespmem:v7+s10+$0x0], $0xffff;
	_ =	sdelay $0x2  }
0x80: {  	p1 =	seq.s32 s15, $0x2  }
.Ltmp9:
0x81: {  	_ = 	snop;
	(pc) =	sbr.rel @p1 .LBB2_12-.Ltmp9, $2  }
0x82: {  	_ =	sdelay $0x2  }
0x83: {  	s21 =	simm.s32 $0x2;
	p0 =	por $0x1, $0x1;
	s20 =	simm.s32 $0x6000;
	v6 =	vld.idx.msk [tilespmem:v6+s4+$0x0], $0xffff  }
.LBB2_13:
0x84: {  	_ =	sdelay $0x3  }
0x85: {  	v7 =	vadd.s32 s21, v3;
	s22 =	smov.u32 s21;
	s21 =	sadd.s32 $0x1, s21;
	v8 =	vand.u32 $0x7FFFFFFF, v6  }
0x86: {  	p1 =	seq.s32 s15, s21;
	v9 =	vxor.u32 $0xFFFFFFFF, v6;
	vm0 =	vlt.s32 v6, $0x0;
	v8 =	vxor.u32 $0x80000000, v8  }
0x87: {  	vm1 =	vgt.s32 v5, s19;
	s19 =	smov.u32 s22;
	v6 =	vsel vm0, v9, v8  }
0x88: {  	s20 =	sadd.s32 $0x10, s20;
	v6 =	vnsel vm1, $0x0, v6  }
0x89: {  	[tilespmem:s20+$0x0] =	vst v6  }
0x8a: {  	v6 =	vld.idx.msk [tilespmem:v7+s10+$0x0], $0xffff;
	_ =	sdelay $0x3  }
.Ltmp10:
0x8b: {  	(pc) =	sbr.rel @!p1 .LBB2_13-.Ltmp10, $2  }
0x8c: {  	_ =	sdelay $0x2  }
0x8d: {  	v6 =	vld.idx.msk [tilespmem:v6+s4+$0x0], $0xffff  }
0x8e: {  	s21 =	smov.u32 s19  }
.LBB2_15:
0x8f: {  	_ =	sdelay $0x2  }
0x90: {  	v7 =	vand.u32 $0x7FFFFFFF, v6  }
0x91: {  	v8 =	vxor.u32 $0xFFFFFFFF, v6;
	vm0 =	vlt.s32 v6, $0x0;
	v7 =	vxor.u32 $0x80000000, v7  }
0x92: {  	vm1 =	vgt.s32 v5, s21;
	s19 =	sadd.s32 @p0 $0x10, s20;
	v5 =	vsel vm0, v8, v7  }
0x93: {  	s18 =	smov.u32 @p0 s19;
	v5 =	vnsel vm1, $0x0, v5  }
0x94: {  	[tilespmem:s18+$0x0] =	vst v5  }
.LBB2_16:
0x95: {  	s17 =	sadd.s32 $0x1, s17  }
0x96: {  	s19 =	ssub.s32 s17, s16  }
0x97: {  	p0 =	sgt.u32 s19, $0x1  }
.Ltmp11:
0x98: {  	_ = 	snop;
	(pc) =	sbr.rel @p0 .LBB2_23-.Ltmp11, $1  }
0x99: {  	_ =	sdelay $0x3  }
.LBB2_17:
0x9a: {  	p0 =	slt.s32 s15, $0x1  }
.Ltmp12:
0x9b: {  	_ = 	snop;
	(pc) =	sbr.rel @p0 .LBB2_29-.Ltmp12, $1  }
0x9c: {  	_ =	sdelay $0x3  }
0x9d: {  	s17 =	simm.s32 $0x0  }
0x9e: {  	v7 =	vadd.s32 s17, v3  }
0x9f: {  	v5 =	vmov s16;
	s16 =	simm.s32 $0x6000  }
0xa0: {  	v6 =	vld [tilespmem:s16+$0x0];
	_ =	sdelay $0x2  }
0xa1: {  	v7 =	vld.idx.msk [tilespmem:v7+s10+$0x0], $0xffff  }
0xa2: {  	p0 =	sne.s32 s15, $0x1  }
.Ltmp13:
0xa3: {  	vm0 =	vge.u32 v6, v5;
	(pc) =	sbr.rel @!p0 .LBB2_20-.Ltmp13, $3  }
0xa4: {  	_ =	sdelay $0x1  }
0xa5: {  	vm1 =	vgt.s32 v6, $0xFFFFFFFF  }
0xa6: {  	s17 =	simm.s32 $0x1;
	v8 =	vsel vm1, $0xFFFFFFFF, v4  }
.LBB2_19:
0xa7: {  	v9 =	vadd.s32 s17, v3;
	s17 =	sadd.s32 $0x1, s17;
	v6 =	vxor.u32 v6, v8  }
0xa8: {  	s16 =	sadd.s32 $0x10, s16;
	p0 =	sne.s32 s15, s17;
	[tilespmem:v7+s11+$0x0] =	vst.idx.msk vm0, v6  }
0xa9: {  	v6 =	vld [tilespmem:s16+$0x0];
	_ =	sdelay $0x2  }
0xaa: {  	v7 =	vld.idx.msk [tilespmem:v9+s10+$0x0], $0xffff;
	_ =	sdelay $0x1  }
.Ltmp14:
0xab: {  	vm0 =	vge.u32 v6, v5;
	(pc) =	sbr.rel @p0 .LBB2_19-.Ltmp14, $3  }
0xac: {  	_ =	sdelay $0x1  }
0xad: {  	vm1 =	vgt.s32 v6, $0xFFFFFFFF  }
0xae: {  	v8 =	vsel vm1, $0xFFFFFFFF, v4  }
.LBB2_20:
0xaf: {  	_ =	sdelay $0x3  }
0xb0: {  	v6 =	vxor.u32 v6, v8  }
0xb1: {  	s14 =	sadd.s32 s2, s14;
	[tilespmem:v7+s11+$0x0] =	vst.idx.msk vm0, v6  }
0xb2: {  	[hbm4b:s14+s7] =	stream.strided.scatter [tilespmem:s11], [sflag:$0x1], $0x2000, s8, s7, $0x38;
	[tilespmem:$0x8000] =	vst v63  }
0xb3: {  	s16 =	simm.s32 $0x0;
	_ =	swait.ge [sflag:s9], $0x2000  }
0xb4: {  	v6 =	vadd.s32 s16, v3;
	[sflag:s9] =	ssyncset.done $0x0  }
0xb5: {  	s14 =	simm.s32 $0x6000;
	[sflag:s9] =	ssyncadd.s32 $0xFFFFE000  }
0xb6: {  	p0 =	seq.s32 s15, $0x1;
	v7 =	vld [tilespmem:s14+$0x0]  }
.Ltmp15:
0xb7: {  	_ = 	snop;
	(pc) =	sbr.rel @p0 .LBB2_22-.Ltmp15, $3  }
0xb8: {  	_ = 	snop  }
0xb9: {  	v6 =	vld.idx.msk [tilespmem:v6+s10+$0x0], $0xffff;
	_ =	sdelay $0x1  }
0xba: {  	s16 =	simm.s32 $0x1;
	vm0 =	vge.u32 v7, v5  }
.LBB2_21:
0xbb: {  	_ =	sdelay $0x3  }
0xbc: {  	v7 =	vadd.s32 s16, v3;
	s16 =	sadd.s32 $0x1, s16  }
0xbd: {  	s14 =	sadd.s32 $0x10, s14;
	p0 =	seq.s32 s15, s16;
	[tilespmem:v6+s11+$0x0] =	vst.idx.msk vm0, v0  }
0xbe: {  	v8 =	vld [tilespmem:s14+$0x0]  }
.Ltmp16:
0xbf: {  	(pc) =	sbr.rel @!p0 .LBB2_21-.Ltmp16, $3  }
0xc0: {  	_ = 	snop  }
0xc1: {  	v6 =	vld.idx.msk [tilespmem:v7+s10+$0x0], $0xffff;
	_ =	sdelay $0x1  }
0xc2: {  	vm0 =	vge.u32 v8, v5  }
.LBB2_22:
0xc3: {  	_ =	sdelay $0x1  }
.Ltmp17:
0xc4: {  	_ = 	snop;
	(pc) =	sbr.rel .LBB2_30-.Ltmp17, $2  }
0xc5: {  	_ =	sdelay $0x2  }
0xc6: {  	[tilespmem:v6+s11+$0x0] =	vst.idx.msk vm0, v0  }
.LBB2_24:
0xc7: {  	v5 =	vimm.s32 $0x0  }
.LBB2_28:
0xc8: {  	(xrf0) =	vadd.scan.msk.s32 $0xffff, v5;
	_ =	sdelay $0x5  }
0xc9: {  	v5, _, _ =	vpop (xrf0)  }
0xca: {  	(v2sf) =	vpush v5, $0xF;
	_ =	sdelay $0xe  }
0xcb: {  	s19 =	spop (v2sf)  }
0xcc: {  	p0 =	sgt.s32 s19, $0x3F  }
0xcd: {  	s16 =	smov.u32 @p0 s18;
	s18 =	smov.u32 @p0 s17  }
0xce: {  	s19 =	ssub.s32 s18, s16  }
0xcf: {  	p0 =	sgt.u32 s19, $0x1  }
.Ltmp18:
0xd0: {  	_ = 	snop;
	(pc) =	sbr.rel @!p0 .LBB2_17-.Ltmp18, $2  }
0xd1: {  	_ =	sdelay $0x2  }
0xd2: {  	s17 =	smov.u32 s18  }
.LBB2_23:
0xd3: {  	p0 =	slt.s32 s15, $0x1  }
.Ltmp19:
0xd4: {  	_ = 	snop;
	(pc) =	sbr.rel @p0 .LBB2_24-.Ltmp19, $3  }
0xd5: {  	_ =	sdelay $0x1  }
0xd6: {  	s18 =	sshrl.u32 s19, $0x1  }
0xd7: {  	s18 =	sadd.s32 s16, s18  }
0xd8: {  	s19 =	simm.s32 $0x6000  }
0xd9: {  	p0 =	sne.s32 s15, $0x1;
	v7 =	vld [tilespmem:s19+$0x0]  }
.Ltmp20:
0xda: {  	_ = 	snop;
	(pc) =	sbr.rel @!p0 .LBB2_27-.Ltmp20, $3  }
0xdb: {  	_ =	sdelay $0x1  }
0xdc: {  	v6 =	vmov s18  }
0xdd: {  	v5 =	vimm.s32 $0x0;
	s20 =	simm.s32 $0x6010;
	s19 =	sadd.s32 $0xFFFFFFFF, s15;
	vm0 =	vge.u32 v7, v6  }
.LBB2_26:
0xde: {  	v7 =	vld [tilespmem:s20+$0x0];
	p0 =	sne.s32 s19, $0x1;
	s19 =	sadd.s32 $0xFFFFFFFF, s19;
	v8 =	vsel vm0, $0x1, v2  }
.Ltmp21:
0xdf: {  	v5 =	vadd.s32 v8, v5;
	(pc) =	sbr.rel @p0 .LBB2_26-.Ltmp21, $2  }
0xe0: {  	_ =	sdelay $0x2  }
0xe1: {  	s20 =	sadd.s32 $0x10, s20;
	vm0 =	vge.u32 v7, v6  }
.LBB2_27:
.Ltmp22:
0xe2: {  	(pc) =	sbr.rel .LBB2_28-.Ltmp22, $3  }
0xe3: {  	_ =	sdelay $0x1  }
0xe4: {  	v6 =	vsel vm0, $0x1, v2  }
0xe5: {  	v5 =	vadd.s32 v6, v5  }
.LBB2_10:
.Ltmp23:
0xe6: {  	(pc) =	sbr.rel .LBB2_15-.Ltmp23, $2  }
0xe7: {  	_ =	sdelay $0x2  }
0xe8: {  	s20 =	simm.s32 $0x6000  }
.LBB2_12:
.Ltmp24:
0xe9: {  	(pc) =	sbr.rel .LBB2_15-.Ltmp24, $2  }
0xea: {  	_ =	sdelay $0x2  }
0xeb: {  	s21 =	simm.s32 $0x1;
	s20 =	simm.s32 $0x6000  }
.LBB2_32:
0xec: {  	_ =	sfence.sel $0x180000  }
0xed: {  	[bflag:$0x0] =	sbarrier.arrive $0xFFFF  }
0xee: {  	p0 =	sne.s32 s3, $0x0;
	_ =	strace $0x90000047  }
0xef: {  	s0 =	sadd.s32 @!p0 $0x100000, s0;
	[bflag:$0x2] =	sbarrier.arrive $0xFFFF  }
0xf0: {  	[sflag:s0] =	ssyncadd.tile.s32 @!p0 $0x1;
	_ =	shalt  }
.Lfunc_end2:
_tile_overlayer_lowered:
.L_overlay_start_2:
0xf1: {  	(tag) =	ssettag $0x2  }
0xf2: {  	s0 =	rddreg [dreg:$0x0];
	s2 =	stileid.u32  }
0xf3: {  	s1 =	rddreg [dreg:$0x1];
	p0 =	sne.s32 s2, $0x0  }
0xf4: {  	s3 =	rddreg [dreg:$0x2];
	[bflag:$0x3] =	sbarrier.arrive $0xFFFF;
	s2 =	simm.s32 @!p0 $0x1C01  }
0xf5: {  	[timem:s3], [sflag:s2] =	dma.local @!p0 [hbm:s0], s1  }
0xf6: {  	s0 =	simm.s32 @!p0 $0x1  }
0xf7: {  	_ =	swait.ge @!p0 [sflag:s0], s1  }
0xf8: {  	s1 =	ssub.s32 @!p0 $0x0, s1;
	[sflag:s0] =	ssyncset.done @!p0 $0x0  }
0xf9: {  	[sflag:s0] =	ssyncadd.s32 @!p0 s1  }
0xfa: {  	[bflag:$0x3] =	sbarrier.arrive $0xFFFF  }
0xfb: {  	_ =	shalt  }

</sc_bundles>
